<compile_context>
chip_gen: v7x
topology: tpu7x:2x2x1
jax: 0.10.2.dev20260603
libtpu: 0.0.44.dev20260713+nightly
codegen_flags: <defaults>
</compile_context>

<pallas_src>
import functools

import jax
import jax.numpy as jnp
from jax import lax
from jax.experimental import pallas as pl
from jax.experimental.pallas import tpu as pltpu
from jax.experimental.pallas import tpu_sc as plsc

_N = 16384
_W = 1001
_NW = 32
_SC_ROWS = 8192
_TC_ROWS = _N - _SC_ROWS
_CHUNK = _SC_ROWS // _NW
_SLAB = 32
_NSLAB = _CHUNK // _SLAB
_ROWS = 2048

_sc_mesh = plsc.VectorSubcoreMesh(core_axis_name="c", subcore_axis_name="s")


@functools.partial(
    pl.kernel,
    mesh=_sc_mesh,
    out_type=jax.ShapeDtypeStruct((_NW * 16,), jnp.float32),
    scratch_types=[
        pltpu.VMEM((_SLAB, _W), jnp.float32),
        pltpu.VMEM((_SLAB, _W), jnp.float32),
        pltpu.VMEM((16,), jnp.float32),
        pltpu.SemaphoreType.DMA,
        pltpu.SemaphoreType.DMA,
    ],
)
def _sc_stream(pred, out, b0, b1, acc_v, sem0, sem1):
    wid = lax.axis_index("s") * 2 + lax.axis_index("c")
    base = _TC_ROWS + wid * _CHUNK
    bufs = (b0, b1)
    sems = (sem0, sem1)

    acc = jnp.zeros((16,), jnp.float32)
    pltpu.async_copy(pred.at[pl.ds(base, _SLAB)], b0, sem0)
    for j in range(_NSLAB):
        nxt = j + 1
        if nxt < _NSLAB:
            pltpu.async_copy(
                pred.at[pl.ds(base + nxt * _SLAB, _SLAB)],
                bufs[nxt % 2], sems[nxt % 2])
        pltpu.make_async_copy(
            pred.at[pl.ds(base + j * _SLAB, _SLAB)],
            bufs[j % 2], sems[j % 2]).wait()
        acc = acc + bufs[j % 2][0, pl.ds(0, 16)]
    acc_v[...] = acc
    pltpu.sync_copy(acc_v, out.at[pl.ds(wid * 16, 16)])


def _tc_sum_kernel(pred_ref, out_ref):
    i = pl.program_id(0)
    part = jnp.sum(pred_ref[...]).reshape(1, 1)

    @pl.when(i == 0)
    def _init():
        out_ref[...] = jnp.zeros((1, 1), jnp.float32)

    out_ref[...] += part


@jax.jit
def kernel(predictions, labels):
    sc_vals = _sc_stream(predictions)
    tc_sum = pl.pallas_call(
        _tc_sum_kernel,
        grid=(_TC_ROWS // _ROWS,),
        in_specs=[pl.BlockSpec((_ROWS, _W), lambda i: (i, 0))],
        out_specs=pl.BlockSpec((1, 1), lambda i: (0, 0)),
        out_shape=jax.ShapeDtypeStruct((1, 1), jnp.float32),
    )(predictions)
    return jnp.sum(sc_vals) + tc_sum[0, 0]

# --- scband reference (transcript-rebuilt; emitter-appended) ---
"""Pipeline reference for scband-yolo-loss-bias-39084202393703 (READ-ONLY COPY).

The authoritative reference and input builder live on the scoring server;
editing this copy changes nothing except your own understanding.
"""

import jax, jax.numpy as jnp
import numpy as np

YOLO_LOSS_BIAS = 5.0  # module-level constant in original code; value assumed

def setup_inputs(seed: int = 0) -> dict:
    key = jax.random.key(seed)
    k1, k2, k3 = jax.random.split(key, 3)
    N, C = 16384, 1000
    predictions = jax.random.normal(k1, (N, 1 + C), dtype=jnp.float32)
    obj = jax.random.randint(k2, (N,), 0, 2)
    cls = jax.random.randint(k3, (N,), 0, C)
    labels = jnp.stack([obj, cls], axis=1)
    return {"predictions": predictions, "labels": labels}

def reference(predictions, labels):
    # BCEWithLogitsLoss (mean) on objectness logit vs labels[:, 0]
    obj_logit = predictions[:, 0]
    obj_target = labels[:, 0].astype(jnp.float32)
    bce = jnp.mean(
        jnp.maximum(obj_logit, 0.0)
        - obj_logit * obj_target
        + jnp.log1p(jnp.exp(-jnp.abs(obj_logit)))
    )
    # CrossEntropyLoss (mean) over rows where objectness label == 1
    # (masked-mean formulation, equivalent to gathering indices_with_class)
    mask = (labels[:, 0] == 1).astype(jnp.float32)
    cls_logits = predictions[:, 1:]
    logZ = jax.nn.logsumexp(cls_logits, axis=1)
    tgt_logit = jnp.take_along_axis(cls_logits, labels[:, 1][:, None], axis=1)[:, 0]
    ce_per_row = logZ - tgt_logit
    n_sel = jnp.sum(mask)
    ce = jnp.sum(ce_per_row * mask) / jnp.maximum(n_sel, 1.0)
    return YOLO_LOSS_BIAS * bce + ce

if __name__ == "__main__":
    import jax
    _d = setup_inputs()
    print(jax.jit(kernel)(*tuple(_d.values())))

</pallas_src>

<mosaic_0001>
#map = affine_map<(d0, d1) -> (0, 0)>
#map1 = affine_map<(d0, d1) -> (0)>
module attributes {stable_mosaic.version = 14 : i64} {
  func.func @_sc_stream(%arg0: i32, %arg1: i32, %arg2: memref<16384x1001xf32, #tpu.memory_space<hbm>>, %arg3: memref<512xf32, #tpu.memory_space<hbm>>, %arg4: memref<32x1001xf32, #tpu.memory_space<vmem>>, %arg5: memref<32x1001xf32, #tpu.memory_space<vmem>>, %arg6: memref<16xf32, #tpu.memory_space<vmem>>, %arg7: memref<!tpu.dma_semaphore, #tpu.memory_space<semaphore_mem>>, %arg8: memref<!tpu.dma_semaphore, #tpu.memory_space<semaphore_mem>>) attributes {dimension_semantics = [#tpu.dimension_semantics<core_parallel>, #tpu.dimension_semantics<subcore_parallel>], iteration_bounds = array<i64: 2, 16>, scalar_prefetch = 0 : i64, scratch_operands = 5 : i64, tpu.core_type = #tpu.core_type<sc_vector_subcore>, window_params = [{transform_indices = #map}, {transform_indices = #map1}]} {
    %mul3A = arith.constant 2 : i32
    %mul3A_0 = arith.muli %arg1, %mul3A : i32
    %add3A = arith.addi %mul3A_0, %arg0 : i32
    %mul3A_1 = arith.constant 256 : i32
    %mul3A_2 = arith.muli %add3A, %mul3A_1 : i32
    %add3A_3 = arith.constant 8192 : i32
    %add3A_4 = arith.addi %add3A_3, %mul3A_2 : i32
    %broadcast_in_dim3A = arith.constant 0.000000e+00 : f32
    %broadcast_in_dim3A_5 = vector.broadcast %broadcast_in_dim3A : f32 to vector<16xf32>
    %dma_start3A = arith.constant 0 : i32
    %dma_start3A_6 = tpu.memref_slice %arg2[%add3A_4, %dma_start3A] : memref<16384x1001xf32, #tpu.memory_space<hbm>> -> memref<32x1001xf32, #tpu.memory_space<hbm>>
    %dma_start3A_7 = arith.constant 0 : i32
    %dma_start3A_8 = tpu.memref_slice %arg2[%add3A_4, %dma_start3A_7] : memref<16384x1001xf32, #tpu.memory_space<hbm>> -> memref<32x1001xf32, #tpu.memory_space<hbm>>
    tpu.enqueue_dma source(%dma_start3A_8 : memref<32x1001xf32, #tpu.memory_space<hbm>>) target(%arg4 : memref<32x1001xf32, #tpu.memory_space<vmem>>) target_semaphore(%arg7 : memref<!tpu.dma_semaphore, #tpu.memory_space<semaphore_mem>>)
    %add3A_9 = arith.constant 32 : i32
    %add3A_10 = arith.addi %add3A_4, %add3A_9 : i32
    %dma_start3A_11 = arith.constant 0 : i32
    %dma_start3A_12 = tpu.memref_slice %arg2[%add3A_10, %dma_start3A_11] : memref<16384x1001xf32, #tpu.memory_space<hbm>> -> memref<32x1001xf32, #tpu.memory_space<hbm>>
    %dma_start3A_13 = arith.constant 0 : i32
    %dma_start3A_14 = tpu.memref_slice %arg2[%add3A_10, %dma_start3A_13] : memref<16384x1001xf32, #tpu.memory_space<hbm>> -> memref<32x1001xf32, #tpu.memory_space<hbm>>
    tpu.enqueue_dma source(%dma_start3A_14 : memref<32x1001xf32, #tpu.memory_space<hbm>>) target(%arg5 : memref<32x1001xf32, #tpu.memory_space<vmem>>) target_semaphore(%arg8 : memref<!tpu.dma_semaphore, #tpu.memory_space<semaphore_mem>>)
    %add3A_15 = arith.constant 0 : i32
    %add3A_16 = arith.addi %add3A_4, %add3A_15 : i32
    %dma_wait3A = arith.constant 0 : i32
    %dma_wait3A_17 = tpu.memref_slice %arg2[%add3A_16, %dma_wait3A] : memref<16384x1001xf32, #tpu.memory_space<hbm>> -> memref<32x1001xf32, #tpu.memory_space<hbm>>
    %dma_wait3A_18 = arith.constant 0 : i32
    %dma_wait3A_19 = tpu.memref_slice %arg2[%add3A_16, %dma_wait3A_18] : memref<16384x1001xf32, #tpu.memory_space<hbm>> -> memref<32x1001xf32, #tpu.memory_space<hbm>>
    tpu.wait_dma2 semaphore(%arg7 : memref<!tpu.dma_semaphore, #tpu.memory_space<semaphore_mem>>) src(%dma_wait3A_19 : memref<32x1001xf32, #tpu.memory_space<hbm>>) dst(%arg4 : memref<32x1001xf32, #tpu.memory_space<vmem>>)
    %get3A = arith.constant 0 : i32
    %get3A_20 = arith.index_cast %get3A : i32 to index
    %get3A_21 = arith.constant 0 : index
    %get3A_22 = tpu.vector_load %arg4[%get3A_20, %get3A_21] {strides = array<i32>} : memref<32x1001xf32, #tpu.memory_space<vmem>>, vector<1x16xf32>,
    %get3A_23 = vector.shape_cast %get3A_22 : vector<1x16xf32> to vector<16xf32>
    %add3A_24 = arith.addf %broadcast_in_dim3A_5, %get3A_23 : vector<16xf32>
    %add3A_25 = arith.constant 64 : i32
    %add3A_26 = arith.addi %add3A_4, %add3A_25 : i32
    %dma_start3A_27 = arith.constant 0 : i32
    %dma_start3A_28 = tpu.memref_slice %arg2[%add3A_26, %dma_start3A_27] : memref<16384x1001xf32, #tpu.memory_space<hbm>> -> memref<32x1001xf32, #tpu.memory_space<hbm>>
    %dma_start3A_29 = arith.constant 0 : i32
    %dma_start3A_30 = tpu.memref_slice %arg2[%add3A_26, %dma_start3A_29] : memref<16384x1001xf32, #tpu.memory_space<hbm>> -> memref<32x1001xf32, #tpu.memory_space<hbm>>
    tpu.enqueue_dma source(%dma_start3A_30 : memref<32x1001xf32, #tpu.memory_space<hbm>>) target(%arg4 : memref<32x1001xf32, #tpu.memory_space<vmem>>) target_semaphore(%arg7 : memref<!tpu.dma_semaphore, #tpu.memory_space<semaphore_mem>>)
    %add3A_31 = arith.constant 32 : i32
    %add3A_32 = arith.addi %add3A_4, %add3A_31 : i32
    %dma_wait3A_33 = arith.constant 0 : i32
    %dma_wait3A_34 = tpu.memref_slice %arg2[%add3A_32, %dma_wait3A_33] : memref<16384x1001xf32, #tpu.memory_space<hbm>> -> memref<32x1001xf32, #tpu.memory_space<hbm>>
    %dma_wait3A_35 = arith.constant 0 : i32
    %dma_wait3A_36 = tpu.memref_slice %arg2[%add3A_32, %dma_wait3A_35] : memref<16384x1001xf32, #tpu.memory_space<hbm>> -> memref<32x1001xf32, #tpu.memory_space<hbm>>
    tpu.wait_dma2 semaphore(%arg8 : memref<!tpu.dma_semaphore, #tpu.memory_space<semaphore_mem>>) src(%dma_wait3A_36 : memref<32x1001xf32, #tpu.memory_space<hbm>>) dst(%arg5 : memref<32x1001xf32, #tpu.memory_space<vmem>>)
    %get3A_37 = arith.constant 0 : i32
    %get3A_38 = arith.index_cast %get3A_37 : i32 to index
    %get3A_39 = arith.constant 0 : index
    %get3A_40 = tpu.vector_load %arg5[%get3A_38, %get3A_39] {strides = array<i32>} : memref<32x1001xf32, #tpu.memory_space<vmem>>, vector<1x16xf32>,
    %get3A_41 = vector.shape_cast %get3A_40 : vector<1x16xf32> to vector<16xf32>
    %add3A_42 = arith.addf %add3A_24, %get3A_41 : vector<16xf32>
    %add3A_43 = arith.constant 96 : i32
    %add3A_44 = arith.addi %add3A_4, %add3A_43 : i32
    %dma_start3A_45 = arith.constant 0 : i32
    %dma_start3A_46 = tpu.memref_slice %arg2[%add3A_44, %dma_start3A_45] : memref<16384x1001xf32, #tpu.memory_space<hbm>> -> memref<32x1001xf32, #tpu.memory_space<hbm>>
    %dma_start3A_47 = arith.constant 0 : i32
    %dma_start3A_48 = tpu.memref_slice %arg2[%add3A_44, %dma_start3A_47] : memref<16384x1001xf32, #tpu.memory_space<hbm>> -> memref<32x1001xf32, #tpu.memory_space<hbm>>
    tpu.enqueue_dma source(%dma_start3A_48 : memref<32x1001xf32, #tpu.memory_space<hbm>>) target(%arg5 : memref<32x1001xf32, #tpu.memory_space<vmem>>) target_semaphore(%arg8 : memref<!tpu.dma_semaphore, #tpu.memory_space<semaphore_mem>>)
    %add3A_49 = arith.constant 64 : i32
    %add3A_50 = arith.addi %add3A_4, %add3A_49 : i32
    %dma_wait3A_51 = arith.constant 0 : i32
    %dma_wait3A_52 = tpu.memref_slice %arg2[%add3A_50, %dma_wait3A_51] : memref<16384x1001xf32, #tpu.memory_space<hbm>> -> memref<32x1001xf32, #tpu.memory_space<hbm>>
    %dma_wait3A_53 = arith.constant 0 : i32
    %dma_wait3A_54 = tpu.memref_slice %arg2[%add3A_50, %dma_wait3A_53] : memref<16384x1001xf32, #tpu.memory_space<hbm>> -> memref<32x1001xf32, #tpu.memory_space<hbm>>
    tpu.wait_dma2 semaphore(%arg7 : memref<!tpu.dma_semaphore, #tpu.memory_space<semaphore_mem>>) src(%dma_wait3A_54 : memref<32x1001xf32, #tpu.memory_space<hbm>>) dst(%arg4 : memref<32x1001xf32, #tpu.memory_space<vmem>>)
    %get3A_55 = arith.constant 0 : i32
    %get3A_56 = arith.index_cast %get3A_55 : i32 to index
    %get3A_57 = arith.constant 0 : index
    %get3A_58 = tpu.vector_load %arg4[%get3A_56, %get3A_57] {strides = array<i32>} : memref<32x1001xf32, #tpu.memory_space<vmem>>, vector<1x16xf32>,
    %get3A_59 = vector.shape_cast %get3A_58 : vector<1x16xf32> to vector<16xf32>
    %add3A_60 = arith.addf %add3A_42, %get3A_59 : vector<16xf32>
    %add3A_61 = arith.constant 128 : i32
    %add3A_62 = arith.addi %add3A_4, %add3A_61 : i32
    %dma_start3A_63 = arith.constant 0 : i32
    %dma_start3A_64 = tpu.memref_slice %arg2[%add3A_62, %dma_start3A_63] : memref<16384x1001xf32, #tpu.memory_space<hbm>> -> memref<32x1001xf32, #tpu.memory_space<hbm>>
    %dma_start3A_65 = arith.constant 0 : i32
    %dma_start3A_66 = tpu.memref_slice %arg2[%add3A_62, %dma_start3A_65] : memref<16384x1001xf32, #tpu.memory_space<hbm>> -> memref<32x1001xf32, #tpu.memory_space<hbm>>
    tpu.enqueue_dma source(%dma_start3A_66 : memref<32x1001xf32, #tpu.memory_space<hbm>>) target(%arg4 : memref<32x1001xf32, #tpu.memory_space<vmem>>) target_semaphore(%arg7 : memref<!tpu.dma_semaphore, #tpu.memory_space<semaphore_mem>>)
    %add3A_67 = arith.constant 96 : i32
    %add3A_68 = arith.addi %add3A_4, %add3A_67 : i32
    %dma_wait3A_69 = arith.constant 0 : i32
    %dma_wait3A_70 = tpu.memref_slice %arg2[%add3A_68, %dma_wait3A_69] : memref<16384x1001xf32, #tpu.memory_space<hbm>> -> memref<32x1001xf32, #tpu.memory_space<hbm>>
    %dma_wait3A_71 = arith.constant 0 : i32
    %dma_wait3A_72 = tpu.memref_slice %arg2[%add3A_68, %dma_wait3A_71] : memref<16384x1001xf32, #tpu.memory_space<hbm>> -> memref<32x1001xf32, #tpu.memory_space<hbm>>
    tpu.wait_dma2 semaphore(%arg8 : memref<!tpu.dma_semaphore, #tpu.memory_space<semaphore_mem>>) src(%dma_wait3A_72 : memref<32x1001xf32, #tpu.memory_space<hbm>>) dst(%arg5 : memref<32x1001xf32, #tpu.memory_space<vmem>>)
    %get3A_73 = arith.constant 0 : i32
    %get3A_74 = arith.index_cast %get3A_73 : i32 to index
    %get3A_75 = arith.constant 0 : index
    %get3A_76 = tpu.vector_load %arg5[%get3A_74, %get3A_75] {strides = array<i32>} : memref<32x1001xf32, #tpu.memory_space<vmem>>, vector<1x16xf32>,
    %get3A_77 = vector.shape_cast %get3A_76 : vector<1x16xf32> to vector<16xf32>
    %add3A_78 = arith.addf %add3A_60, %get3A_77 : vector<16xf32>
    %add3A_79 = arith.constant 160 : i32
    %add3A_80 = arith.addi %add3A_4, %add3A_79 : i32
    %dma_start3A_81 = arith.constant 0 : i32
    %dma_start3A_82 = tpu.memref_slice %arg2[%add3A_80, %dma_start3A_81] : memref<16384x1001xf32, #tpu.memory_space<hbm>> -> memref<32x1001xf32, #tpu.memory_space<hbm>>
    %dma_start3A_83 = arith.constant 0 : i32
    %dma_start3A_84 = tpu.memref_slice %arg2[%add3A_80, %dma_start3A_83] : memref<16384x1001xf32, #tpu.memory_space<hbm>> -> memref<32x1001xf32, #tpu.memory_space<hbm>>
    tpu.enqueue_dma source(%dma_start3A_84 : memref<32x1001xf32, #tpu.memory_space<hbm>>) target(%arg5 : memref<32x1001xf32, #tpu.memory_space<vmem>>) target_semaphore(%arg8 : memref<!tpu.dma_semaphore, #tpu.memory_space<semaphore_mem>>)
    %add3A_85 = arith.constant 128 : i32
    %add3A_86 = arith.addi %add3A_4, %add3A_85 : i32
    %dma_wait3A_87 = arith.constant 0 : i32
    %dma_wait3A_88 = tpu.memref_slice %arg2[%add3A_86, %dma_wait3A_87] : memref<16384x1001xf32, #tpu.memory_space<hbm>> -> memref<32x1001xf32, #tpu.memory_space<hbm>>
    %dma_wait3A_89 = arith.constant 0 : i32
    %dma_wait3A_90 = tpu.memref_slice %arg2[%add3A_86, %dma_wait3A_89] : memref<16384x1001xf32, #tpu.memory_space<hbm>> -> memref<32x1001xf32, #tpu.memory_space<hbm>>
    tpu.wait_dma2 semaphore(%arg7 : memref<!tpu.dma_semaphore, #tpu.memory_space<semaphore_mem>>) src(%dma_wait3A_90 : memref<32x1001xf32, #tpu.memory_space<hbm>>) dst(%arg4 : memref<32x1001xf32, #tpu.memory_space<vmem>>)
    %get3A_91 = arith.constant 0 : i32
    %get3A_92 = arith.index_cast %get3A_91 : i32 to index
    %get3A_93 = arith.constant 0 : index
    %get3A_94 = tpu.vector_load %arg4[%get3A_92, %get3A_93] {strides = array<i32>} : memref<32x1001xf32, #tpu.memory_space<vmem>>, vector<1x16xf32>,
    %get3A_95 = vector.shape_cast %get3A_94 : vector<1x16xf32> to vector<16xf32>
    %add3A_96 = arith.addf %add3A_78, %get3A_95 : vector<16xf32>
    %add3A_97 = arith.constant 192 : i32
    %add3A_98 = arith.addi %add3A_4, %add3A_97 : i32
    %dma_start3A_99 = arith.constant 0 : i32
    %dma_start3A_100 = tpu.memref_slice %arg2[%add3A_98, %dma_start3A_99] : memref<16384x1001xf32, #tpu.memory_space<hbm>> -> memref<32x1001xf32, #tpu.memory_space<hbm>>
    %dma_start3A_101 = arith.constant 0 : i32
    %dma_start3A_102 = tpu.memref_slice %arg2[%add3A_98, %dma_start3A_101] : memref<16384x1001xf32, #tpu.memory_space<hbm>> -> memref<32x1001xf32, #tpu.memory_space<hbm>>
    tpu.enqueue_dma source(%dma_start3A_102 : memref<32x1001xf32, #tpu.memory_space<hbm>>) target(%arg4 : memref<32x1001xf32, #tpu.memory_space<vmem>>) target_semaphore(%arg7 : memref<!tpu.dma_semaphore, #tpu.memory_space<semaphore_mem>>)
    %add3A_103 = arith.constant 160 : i32
    %add3A_104 = arith.addi %add3A_4, %add3A_103 : i32
    %dma_wait3A_105 = arith.constant 0 : i32
    %dma_wait3A_106 = tpu.memref_slice %arg2[%add3A_104, %dma_wait3A_105] : memref<16384x1001xf32, #tpu.memory_space<hbm>> -> memref<32x1001xf32, #tpu.memory_space<hbm>>
    %dma_wait3A_107 = arith.constant 0 : i32
    %dma_wait3A_108 = tpu.memref_slice %arg2[%add3A_104, %dma_wait3A_107] : memref<16384x1001xf32, #tpu.memory_space<hbm>> -> memref<32x1001xf32, #tpu.memory_space<hbm>>
    tpu.wait_dma2 semaphore(%arg8 : memref<!tpu.dma_semaphore, #tpu.memory_space<semaphore_mem>>) src(%dma_wait3A_108 : memref<32x1001xf32, #tpu.memory_space<hbm>>) dst(%arg5 : memref<32x1001xf32, #tpu.memory_space<vmem>>)
    %get3A_109 = arith.constant 0 : i32
    %get3A_110 = arith.index_cast %get3A_109 : i32 to index
    %get3A_111 = arith.constant 0 : index
    %get3A_112 = tpu.vector_load %arg5[%get3A_110, %get3A_111] {strides = array<i32>} : memref<32x1001xf32, #tpu.memory_space<vmem>>, vector<1x16xf32>,
    %get3A_113 = vector.shape_cast %get3A_112 : vector<1x16xf32> to vector<16xf32>
    %add3A_114 = arith.addf %add3A_96, %get3A_113 : vector<16xf32>
    %add3A_115 = arith.constant 224 : i32
    %add3A_116 = arith.addi %add3A_4, %add3A_115 : i32
    %dma_start3A_117 = arith.constant 0 : i32
    %dma_start3A_118 = tpu.memref_slice %arg2[%add3A_116, %dma_start3A_117] : memref<16384x1001xf32, #tpu.memory_space<hbm>> -> memref<32x1001xf32, #tpu.memory_space<hbm>>
    %dma_start3A_119 = arith.constant 0 : i32
    %dma_start3A_120 = tpu.memref_slice %arg2[%add3A_116, %dma_start3A_119] : memref<16384x1001xf32, #tpu.memory_space<hbm>> -> memref<32x1001xf32, #tpu.memory_space<hbm>>
    tpu.enqueue_dma source(%dma_start3A_120 : memref<32x1001xf32, #tpu.memory_space<hbm>>) target(%arg5 : memref<32x1001xf32, #tpu.memory_space<vmem>>) target_semaphore(%arg8 : memref<!tpu.dma_semaphore, #tpu.memory_space<semaphore_mem>>)
    %add3A_121 = arith.constant 192 : i32
    %add3A_122 = arith.addi %add3A_4, %add3A_121 : i32
    %dma_wait3A_123 = arith.constant 0 : i32
    %dma_wait3A_124 = tpu.memref_slice %arg2[%add3A_122, %dma_wait3A_123] : memref<16384x1001xf32, #tpu.memory_space<hbm>> -> memref<32x1001xf32, #tpu.memory_space<hbm>>
    %dma_wait3A_125 = arith.constant 0 : i32
    %dma_wait3A_126 = tpu.memref_slice %arg2[%add3A_122, %dma_wait3A_125] : memref<16384x1001xf32, #tpu.memory_space<hbm>> -> memref<32x1001xf32, #tpu.memory_space<hbm>>
    tpu.wait_dma2 semaphore(%arg7 : memref<!tpu.dma_semaphore, #tpu.memory_space<semaphore_mem>>) src(%dma_wait3A_126 : memref<32x1001xf32, #tpu.memory_space<hbm>>) dst(%arg4 : memref<32x1001xf32, #tpu.memory_space<vmem>>)
    %get3A_127 = arith.constant 0 : i32
    %get3A_128 = arith.index_cast %get3A_127 : i32 to index
    %get3A_129 = arith.constant 0 : index
    %get3A_130 = tpu.vector_load %arg4[%get3A_128, %get3A_129] {strides = array<i32>} : memref<32x1001xf32, #tpu.memory_space<vmem>>, vector<1x16xf32>,
    %get3A_131 = vector.shape_cast %get3A_130 : vector<1x16xf32> to vector<16xf32>
    %add3A_132 = arith.addf %add3A_114, %get3A_131 : vector<16xf32>
    %add3A_133 = arith.constant 224 : i32
    %add3A_134 = arith.addi %add3A_4, %add3A_133 : i32
    %dma_wait3A_135 = arith.constant 0 : i32
    %dma_wait3A_136 = tpu.memref_slice %arg2[%add3A_134, %dma_wait3A_135] : memref<16384x1001xf32, #tpu.memory_space<hbm>> -> memref<32x1001xf32, #tpu.memory_space<hbm>>
    %dma_wait3A_137 = arith.constant 0 : i32
    %dma_wait3A_138 = tpu.memref_slice %arg2[%add3A_134, %dma_wait3A_137] : memref<16384x1001xf32, #tpu.memory_space<hbm>> -> memref<32x1001xf32, #tpu.memory_space<hbm>>
    tpu.wait_dma2 semaphore(%arg8 : memref<!tpu.dma_semaphore, #tpu.memory_space<semaphore_mem>>) src(%dma_wait3A_138 : memref<32x1001xf32, #tpu.memory_space<hbm>>) dst(%arg5 : memref<32x1001xf32, #tpu.memory_space<vmem>>)
    %get3A_139 = arith.constant 0 : i32
    %get3A_140 = arith.index_cast %get3A_139 : i32 to index
    %get3A_141 = arith.constant 0 : index
    %get3A_142 = tpu.vector_load %arg5[%get3A_140, %get3A_141] {strides = array<i32>} : memref<32x1001xf32, #tpu.memory_space<vmem>>, vector<1x16xf32>,
    %get3A_143 = vector.shape_cast %get3A_142 : vector<1x16xf32> to vector<16xf32>
    %add3A_144 = arith.addf %add3A_132, %get3A_143 : vector<16xf32>
    %swap3A = arith.constant 0 : index
    %swap3A_145 = tpu.vector_load %arg6[%swap3A] {strides = array<i32>} : memref<16xf32, #tpu.memory_space<vmem>>, vector<16xf32>,
    %swap3A_146 = vector.shape_cast %swap3A_145 : vector<16xf32> to vector<16xf32>
    %swap3A_147 = vector.shape_cast %add3A_144 : vector<16xf32> to vector<16xf32>
    tpu.vector_store %arg6[%swap3A], %swap3A_147 {strides = array<i32>} : memref<16xf32, #tpu.memory_space<vmem>>, vector<16xf32>,
    %mul3A_148 = arith.constant 16 : i32
    %mul3A_149 = arith.muli %add3A, %mul3A_148 : i32
    "tpu.region"() ({
      %run_scoped3A = tpu.sem_alloc : memref<!tpu.dma_semaphore, #tpu.memory_space<semaphore_mem>>
      %dma_start3A_150 = tpu.memref_slice %arg3[%mul3A_149] : memref<512xf32, #tpu.memory_space<hbm>> -> memref<16xf32, #tpu.memory_space<hbm>>
      %dma_start3A_151 = tpu.memref_slice %arg3[%mul3A_149] : memref<512xf32, #tpu.memory_space<hbm>> -> memref<16xf32, #tpu.memory_space<hbm>>
      tpu.enqueue_dma source(%arg6 : memref<16xf32, #tpu.memory_space<vmem>>) target(%dma_start3A_151 : memref<16xf32, #tpu.memory_space<hbm>>) target_semaphore(%run_scoped3A : memref<!tpu.dma_semaphore, #tpu.memory_space<semaphore_mem>>)
      %dma_wait3A_152 = tpu.memref_slice %arg3[%mul3A_149] : memref<512xf32, #tpu.memory_space<hbm>> -> memref<16xf32, #tpu.memory_space<hbm>>
      %dma_wait3A_153 = tpu.memref_slice %arg3[%mul3A_149] : memref<512xf32, #tpu.memory_space<hbm>> -> memref<16xf32, #tpu.memory_space<hbm>>
      tpu.wait_dma2 semaphore(%run_scoped3A : memref<!tpu.dma_semaphore, #tpu.memory_space<semaphore_mem>>) src(%arg6 : memref<16xf32, #tpu.memory_space<vmem>>) dst(%dma_wait3A_153 : memref<16xf32, #tpu.memory_space<hbm>>)
      tpu.yield
    }) : () -> ()
    return
  }
}

module attributes {stable_mosaic.version = 14 : i64} {
  func.func @_tc_sum_kernel(%arg0: i32, %arg1: memref<2048x1001xf32, #tpu.memory_space<vmem>>, %arg2: memref<1x1xf32, #tpu.memory_space<vmem>>) attributes {dimension_semantics = [#tpu.dimension_semantics<arbitrary>], iteration_bounds = array<i64: 4>, scalar_prefetch = 0 : i64, scratch_operands = 0 : i64, tpu.core_type = #tpu.core_type<tc>, window_params = [{transform_indices = @transform_0, window_bounds = array<i64: 2048, 1001>}, {pipeline_mode = #tpu.pipeline_mode<synchronous>, transform_indices = @transform_1, window_bounds = array<i64: 1, 1>}]} {
    %get3A = arith.constant 0 : index
    %get3A_0 = arith.constant 0 : index
    %get3A_1 = vector.load %arg1[%get3A, %get3A_0] : memref<2048x1001xf32, #tpu.memory_space<vmem>>, vector<2048x1001xf32>
    %reduce_sum3A = vector.shape_cast %get3A_1 : vector<2048x1001xf32> to vector<1x2048x1001xf32>
    %reduce_sum3A_2 = arith.constant dense<0.000000e+00> : vector<1xf32>
    %reduce_sum3A_3 = vector.multi_reduction <add>, %reduce_sum3A, %reduce_sum3A_2 [1, 2] : vector<1x2048x1001xf32> to vector<1xf32>
    %reduce_sum3A_4 = vector.shape_cast %reduce_sum3A_3 : vector<1xf32> to vector<1x1x1xf32>
    %reduce_sum3A_5 = vector.extract %reduce_sum3A_4[0, 0, 0] : f32 from vector<1x1x1xf32>
    %reshape3A = vector.broadcast %reduce_sum3A_5 : f32 to vector<1x1xf32>
    %eq3A = arith.constant 0 : i32
    %eq3A_6 = arith.cmpi eq, %arg0, %eq3A : i32
    %convert_element_type3A = arith.extui %eq3A_6 : i1 to i32
    %cond3A = arith.constant 0 : i32
    %cond3A_7 = arith.cmpi ne, %convert_element_type3A, %cond3A : i32
    scf.if %cond3A_7 {
      %broadcast_in_dim3A = arith.constant 0.000000e+00 : f32
      %broadcast_in_dim3A_13 = vector.broadcast %broadcast_in_dim3A : f32 to vector<1x1xf32>
      %swap3A_14 = arith.constant 0 : index
      %swap3A_15 = arith.constant 0 : index
      %swap3A_16 = vector.load %arg2[%swap3A_14, %swap3A_15] : memref<1x1xf32, #tpu.memory_space<vmem>>, vector<1x1xf32>
      tpu.vector_store %arg2[%swap3A_14, %swap3A_15], %broadcast_in_dim3A_13 {strides = array<i32>} : memref<1x1xf32, #tpu.memory_space<vmem>>, vector<1x1xf32>,
    } else {
    }
    %get3A_8 = arith.constant 0 : index
    %get3A_9 = arith.constant 0 : index
    %get3A_10 = vector.load %arg2[%get3A_8, %get3A_9] : memref<1x1xf32, #tpu.memory_space<vmem>>, vector<1x1xf32>
    %add3A = arith.addf %get3A_10, %reshape3A : vector<1x1xf32>
    %swap3A = arith.constant 0 : index
    %swap3A_11 = arith.constant 0 : index
    %swap3A_12 = vector.load %arg2[%swap3A, %swap3A_11] : memref<1x1xf32, #tpu.memory_space<vmem>>, vector<1x1xf32>
    tpu.vector_store %arg2[%swap3A, %swap3A_11], %add3A {strides = array<i32>} : memref<1x1xf32, #tpu.memory_space<vmem>>, vector<1x1xf32>,
    return
  }
  func.func @transform_0(%arg0: i32) -> (i32, i32) {
    %c0_i32 = arith.constant 0 : i32
    %c0_i32_0 = arith.constant 0 : i32
    return %arg0, %c0_i32 : i32, i32
  }
  func.func @transform_1(%arg0: i32) -> (i32, i32) {
    %c0_i32 = arith.constant 0 : i32
    %c0_i32_0 = arith.constant 0 : i32
    %c0_i32_1 = arith.constant 0 : i32
    return %c0_i32, %c0_i32_0 : i32, i32
  }
}

</mosaic_0001>

<sc_bundles>
// kernel: kernel.4.cloned.1.call-start
scs
__scs_entry_jumppad:
0x0: {  	(pc) =	sbr.rel $0x88, $3  }
0x1: {  	(tag) =	ssettag $0x0;
	lr =	simm.s32 $0x1  }
0x2: {  	[smem:$0x3FA0] =	sst lr;
	_ =	strace $0xD0000000  }
0x3: {  	_ = 	snop  }
0x4: {  	_ = 	snop  }
0x5: {  	_ = 	snop  }
0x6: {  	_ = 	snop  }
0x7: {  	_ = 	snop  }
__scs_overlays_trampoline_lowered:
0x8: {  	[smem:$0x3FAF] =	sst s0  }
0x9: {  	[smem:$0x3FB0] =	sst s1  }
0xa: {  	[smem:$0x3FB1] =	sst s2  }
0xb: {  	[smem:$0x3FB2] =	sst s3  }
0xc: {  	[smem:$0x3FB3] =	sst s4  }
0xd: {  	[smem:$0x3FB4] =	sst s5  }
0xe: {  	[smem:$0x3FB5] =	sst s6  }
0xf: {  	[smem:$0x3FB6] =	sst s7  }
0x10: {  	[smem:$0x3FB7] =	sst s8  }
0x11: {  	[smem:$0x3FB8] =	sst s9;
	s0 =	simm.s32 @!p0 $0x0  }
0x12: {  	s1 =	sld [smem:$0x3F9E];
	s0 =	simm.s32 @p0 $0x1  }
0x13: {  	[smem:$0x3FB9] =	sst s0;
	s0 =	simm.s32 @!p1 $0x0  }
0x14: {  	s2 =	sld [smem:$0x3F9D];
	s0 =	simm.s32 @p1 $0x1  }
0x15: {  	[smem:$0x3FBA] =	sst s0;
	s0 =	simm.s32 @!p2 $0x0  }
0x16: {  	s3 =	sld [smem:$0x3FDB];
	s0 =	simm.s32 @p2 $0x1  }
0x17: {  	s4 =	simm.s32 $0x1BF5;
	[smem:$0x3FBC] =	sst s0  }
0x18: {  	s0 =	sld [smem:$0x3F9F];
	_ =	swait.ge [sflag:s4], $0x0  }
0x19: {  	s7 =	sld [smem:$0x3FA0]  }
0x1a: {  	s8 =	sadd.s32 $0xFFFFE003, lr  }
0x1b: {  	s9 =	sadd.s32 $0xFFFFFEF7, lr;
	s5 =	simm.s32 $0xFFFFFFFF;
	p2 =	slt.u32 s8, $0xFFFFF086  }
0x1c: {  	p1 =	slt.u32 s9, $0xF7A;
	s5 =	simm.s32 @!p2 $0x0  }
0x1d: {  	s5 =	simm.s32 @p1 $0x1;
	p0 =	seq.s32 s7, s2  }
0x1e: {  	s7 =	smul.u32 @!p0 $0xF7A, s2;
	p2 =	seq.s32 @!p0 s5, $0x0  }
0x1f: {  	s9 =	smul.u32 $0xF7A, s1;
	s8 =	simm.s32 @!p0 $0x1BF5;
	p2 =	por !p2, p0  }
0x20: {  	[sflag:s8] =	ssyncset.s32 @!p0 $0xFFFFF086;
	s6 =	sadd.s32 @!p0 s3, s7;
	s7 =	simm.s32 @!p0 $0x108  }
0x21: {  	s3 =	sadd.s32 s3, s9;
	s6 =	sadd.s32 @!p0 $0x88, s6;
	s7 =	simm.s32 @p2 $0x1082  }
0x22: {  	[simem:s7], [sflag:s8] =	dma.local @!p0 [hbm:s6], $0xF7A  }
0x23: {  	s9 =	sor.u32 $0xD0000000, s2;
	s6 =	simm.s32 $0x108;
	_ =	swait.ge @!p0 [sflag:s8], $0x0  }
0x24: {  	s3 =	sadd.s32 $0x88, s3;
	s6 =	simm.s32 @!p1 $0x1082;
	[sflag:s4] =	ssyncset.s32 $0xFFFFF086  }
0x25: {  	[simem:s6], [sflag:s4] =	dma.local [hbm:s3], $0xF7A  }
0x26: {  	[smem:$0x3FA0] =	sst s1;
	(tag) =	ssettag s2;
	_ =	strace s9  }
0x27: {  	s1 =	sld [smem:$0x3FB0]  }
0x28: {  	s2 =	sld [smem:$0x3FB1]  }
0x29: {  	s4 =	sld [smem:$0x3FB3]  }
0x2a: {  	p0 =	seq.s32 s5, $0x0;
	s5 =	sld [smem:$0x3FB4]  }
0x2b: {  	s6 =	sld [smem:$0x3FB5]  }
0x2c: {  	s7 =	sld [smem:$0x3FB6]  }
0x2d: {  	s3 =	simm.s32 $0x108;
	s8 =	sld [smem:$0x3FB7]  }
0x2e: {  	s3 =	simm.s32 @!p0 $0x1082;
	s9 =	sld [smem:$0x3FB8]  }
0x2f: {  	lr =	sadd.s32 s0, s3;
	s0 =	sld [smem:$0x3FAF]  }
0x30: {  	s3 =	sld [smem:$0x3FB2]  }
0x31: {  	[smem:$0x3FBB] =	sst s10  }
0x32: {  	s10 =	sld [smem:$0x3FB9];
	_ =	sdelay $0x3  }
0x33: {  	p0 =	seq.s32 s10, $0x1;
	s10 =	sld [smem:$0x3FBB];
	_ =	sdelay $0x3  }
0x34: {  	[smem:$0x3FBB] =	sst s10  }
0x35: {  	s10 =	sld [smem:$0x3FBA];
	_ =	sdelay $0x3  }
0x36: {  	p1 =	seq.s32 s10, $0x1;
	s10 =	sld [smem:$0x3FBB];
	_ =	sdelay $0x3  }
0x37: {  	[smem:$0x3FBB] =	sst s10  }
0x38: {  	s10 =	sld [smem:$0x3FBC]  }
0x39: {  	_ = 	snop;
	(pc) =	sbr.ind lr, $3  }
0x3a: {  	_ = 	snop  }
0x3b: {  	_ = 	snop  }
0x3c: {  	p2 =	seq.s32 s10, $0x1;
	s10 =	sld [smem:$0x3FBB]  }
0x3d: {  	_ =	shalt  }
0x3e: {  	_ =	shalt  }
0x3f: {  	_ =	shalt  }
0x40: {  	_ =	shalt  }
0x41: {  	_ =	shalt  }
0x42: {  	_ =	shalt  }
0x43: {  	_ =	shalt  }
0x44: {  	_ =	shalt  }
0x45: {  	_ =	shalt  }
0x46: {  	_ =	shalt  }
0x47: {  	_ =	shalt  }
0x48: {  	_ =	shalt  }
0x49: {  	_ =	shalt  }
0x4a: {  	_ =	shalt  }
0x4b: {  	_ =	shalt  }
0x4c: {  	_ =	shalt  }
0x4d: {  	_ =	shalt  }
0x4e: {  	_ =	shalt  }
0x4f: {  	_ =	shalt  }
0x50: {  	_ =	shalt  }
0x51: {  	_ =	shalt  }
0x52: {  	_ =	shalt  }
0x53: {  	_ =	shalt  }
0x54: {  	_ =	shalt  }
0x55: {  	_ =	shalt  }
0x56: {  	_ =	shalt  }
0x57: {  	_ =	shalt  }
0x58: {  	_ =	shalt  }
0x59: {  	_ =	shalt  }
0x5a: {  	_ =	shalt  }
0x5b: {  	_ =	shalt  }
0x5c: {  	_ =	shalt  }
0x5d: {  	_ =	shalt  }
0x5e: {  	_ =	shalt  }
0x5f: {  	_ =	shalt  }
0x60: {  	_ =	shalt  }
0x61: {  	_ =	shalt  }
0x62: {  	_ =	shalt  }
0x63: {  	_ =	shalt  }
0x64: {  	_ =	shalt  }
0x65: {  	_ =	shalt  }
0x66: {  	_ =	shalt  }
0x67: {  	_ =	shalt  }
0x68: {  	_ =	shalt  }
0x69: {  	_ =	shalt  }
0x6a: {  	_ =	shalt  }
0x6b: {  	_ =	shalt  }
0x6c: {  	_ =	shalt  }
0x6d: {  	_ =	shalt  }
0x6e: {  	_ =	shalt  }
0x6f: {  	_ =	shalt  }
0x70: {  	_ =	shalt  }
0x71: {  	_ =	shalt  }
0x72: {  	_ =	shalt  }
0x73: {  	_ =	shalt  }
0x74: {  	_ =	shalt  }
0x75: {  	_ =	shalt  }
0x76: {  	_ =	shalt  }
0x77: {  	_ =	shalt  }
0x78: {  	_ =	shalt  }
0x79: {  	_ =	shalt  }
0x7a: {  	_ =	shalt  }
0x7b: {  	_ =	shalt  }
0x7c: {  	_ =	shalt  }
0x7d: {  	_ =	shalt  }
0x7e: {  	_ =	shalt  }
0x7f: {  	_ =	shalt  }
0x80: {  	_ =	shalt  }
0x81: {  	_ =	shalt  }
0x82: {  	_ =	shalt  }
0x83: {  	_ =	shalt  }
0x84: {  	_ =	shalt  }
0x85: {  	_ =	shalt  }
0x86: {  	_ =	shalt  }
0x87: {  	_ =	shalt  }
.Lfunc_end0:
.L_simem_size_0:
called_computation_lowered:
.L_overlay_start_0:
0x88: {  	s2 =	sld [smem:$0x3FD9]  }
0x89: {  	s3 =	sld [smem:$0x3FFE];
	_ =	sdelay $0x1  }
0x8a: {  	s1 =	srdreg.scid  }
0x8b: {  	s0 =	sand.u32 $0x1, s1  }
0x8c: {  	s16 =	sshll.u32 s0, $0xA;
	s2 =	sadd.s32 s3, s2  }
0x8d: {  	s2 =	sadd.s32 s2, s16  }
0x8e: {  	[smem:$0x3FC7] =	sst s2  }
0x8f: {  	_ = 	snop  }
0x90: {  	(tm) =	ssettm $0x1  }
0x91: {  	s17 =	sld [smem:$0x3FFB];
	_ =	sdelay $0x3  }
0x92: {  	_ =	strace s17  }
0x93: {  	s2 =	sld [smem:$0x3FFC];
	_ =	sdelay $0x3  }
0x94: {  	_ =	strace s2  }
0x95: {  	s2 =	sld [smem:$0x3FFD];
	_ =	sdelay $0x3  }
0x96: {  	_ =	strace s2  }
0x97: {  	_ =	strace $0x8FFFFFFF  }
0x98: {  	s18 =	sld [smem:$0x3FDB];
	_ =	sdelay $0x1  }
0x99: {  	s19 =	simm.s32 $_scs_section_size  }
0x9a: {  	s4 =	simm.s32 $_size__tile_overlayer_lowered;
	s5 =	simm.s32 $_tile_overlayer_lowered  }
0x9b: {  	s22 =	simm.s32 $0x1BFF;
	s21 =	sshll.u32 s5, $0x1;
	s2 =	sadd.s32 s19, s18  }
0x9c: {  	s6 =	simm.s32 $0x0;
	s20 =	sshll.u32 s4, $0x1;
	s4 =	sadd.s32 s21, s2  }
0x9d: {  	[timem:s6], [sflag:s22] =	dma.local [hbm:s4], s20  }
0x9e: {  	_ =	swait.ge [sflag:s22], s20  }
0x9f: {  	s3 =	ssub.s32 $0x0, s20;
	[sflag:s22] =	ssyncset.done $0x0  }
0xa0: {  	[sflag:s22] =	ssyncadd.s32 s3;
	_ =	sdelay $0x1  }
0xa1: {  	s23 =	simm.s32 $0x1B8B  }
0xa2: {  	_ =	swait.ge [sflag:s23], $0x1  }
0xa3: {  	[sflag:s23] =	ssyncset.done $0x0  }
0xa4: {  	s25 =	simm.s32 $0x1B8E;
	s24 =	sld [smem:$0x3FFE];
	[sflag:s23] =	ssyncadd.s32 $0xFFFFFFFF  }
0xa5: {  	s26 =	simm.s32 $execute0_lowered;
	[smem:$0x3FD2] =	sst s25  }
0xa6: {  	s4 =	sshll.u32 s26, $0x1;
	_ =	strace $0x80000046;
	[dreg:$0x1] =	wrdreg $0xFFFFFFFF  }
0xa7: {  	s28 =	simm.s32 $_size_execute0_lowered;
	s2 =	sadd.s32 s2, s4;
	[dreg:$0x0] =	wrdreg $0x0  }
0xa8: {  	s4 =	sshll.u32 s28, $0x1;
	[dreg:$0x2] =	wrdreg s2  }
0xa9: {  	[dreg:$0x3] =	wrdreg s4  }
0xaa: {  	[dreg:$0x4] =	wrdreg $0xC0  }
0xab: {  	_ =	task [dreg:s6], $0x5FFFF  }
0xac: {  	[dreg:$0x1] =	wrdreg $0xFFFFFFFF  }
0xad: {  	[dreg:$0x0] =	wrdreg $0x60  }
0xae: {  	[dreg:$0x2] =	wrdreg s24  }
0xaf: {  	[dreg:$0x3] =	wrdreg $0x9  }
0xb0: {  	_ =	task.clear_ibuf [dreg:s6], $0x4FFFF;
	_ =	strace $0x90000046  }
0xb1: {  	s29 =	simm.s32 $0x9;
	_ =	strace $0x80000048  }
0xb2: {  	_ =	swait.ge [sflag:s29], $0x1  }
0xb3: {  	[sflag:s29] =	ssyncadd.s32 $0xFFFFFFFF  }
0xb4: {  	_ =	strace $0x90000048  }
0xb5: {  	_ =	sfence  }
0xb6: {  	s30 =	sld [smem:$0x0];
	_ =	sdelay $0x2  }
0xb7: {  	s31 =	sshll.u32 s1, $0xD;
	s1 =	sshrl.u32 s1, $0x2  }
0xb8: {  	s3 =	sand.u32 $0x4000, s31;
	s1 =	sadd.s32 s1, s30  }
0xb9: {  	s0 =	sor.u32 s3, s0;
	s1 =	sshll.u32 s1, $0x11  }
0xba: {  	s0 =	sor.u32 s1, s0  }
0xbb: {  	s0 =	sadd.s32 $0x8F2B, s0  }
0xbc: {  	[sflag:s0] =	ssyncadd.remote.s32 $0x1  }
0xbd: {  	_ =	sfence.sel $0xFFFF  }
0xbe: {  	[dreg:$0x0] =	wrdreg $0xFFFFFFFF;
	(pc) =	sbr.abs _section_cstart, $3  }
0xbf: {  	[dreg:$0x1] =	wrdreg $0xFFFFFFFF  }
0xc0: {  	_ =	task.clear_ibuf [dreg:s6], $0x2FFFF;
	_ =	strace $0x9FFFFFFF  }
0xc1: {  	(tm) =	ssettm $0x7FFFFFFF  }
tec
execute0_lowered:
.L_overlay_start_1:
0x0: {  	(tag) =	ssettag $0x1  }
0x1: {  	s3 =	rddreg [dreg:$0x0]  }
0x2: {  	s0 =	rddreg [dreg:$0x1]  }
0x3: {  	s2 =	simm.s32 $0x0;
	s4 =	srdreg.scid;
	s1 =	stileid.u32  }
0x4: {  	s13 =	simm.s32 $0x8000;
	s14 =	simm.s32 $0x1;
	s15 =	simm.s32 $0x2  }
0x5: {  	s16 =	simm.s32 $0x10000;
	s4 =	sand.u32 $0x1, s4;
	s5 =	sshll.u32 s1, $0x1  }
0x6: {  	s17 =	simm.s32 $0x3;
	[smem:$0x7FF] =	sst s2;
	s5 =	sor.u32 s4, s5  }
0x7: {  	s4 =	ssub.s32 $0x2, s4;
	s6 =	sshll.u32 s5, $0x1;
	s5 =	sshll.u32 s5, $0xF  }
0x8: {  	_ =	strace $0x80000047;
	s7 =	sshrl.u32 s4, $0x1;
	s10 =	sadd.s32 s5, s3  }
0x9: {  	s11 =	sadd.s32 s6, s3;
	s12 =	ssub.s32 s4, s7;
	s3 =	sadd.s32 $0x100000, s10  }
0xa: {  	s4 =	sadd.s32 $0x101000, s10;
	s5 =	sadd.s32 $0x102000, s10;
	s6 =	sadd.s32 $0x103000, s10  }
0xb: {  	s7 =	sadd.s32 $0x104000, s10;
	s8 =	sadd.s32 $0x105000, s10;
	s9 =	sadd.s32 $0x106000, s10  }
0xc: {  	s10 =	sadd.s32 $0x107000, s10;
	s11 =	sadd.s32 $0x200000, s11;
	s12 =	smax.u32 s12, $0x1  }
.LBB2_1:
0xd: {  	[tilespmem:s2], [sflag:$0x1] =	stream.linear.gather [hbm4b:s3+s2], $0x8000, $0x38;
	[tilespmem:$0x10080] =	vst v63  }
0xe: {  	_ = 	snop  }
0xf: {  	[tilespmem:s13], [sflag:$0x2] =	stream.linear.gather [hbm4b:s4+s2], $0x8000, $0x38;
	[tilespmem:$0x10080] =	vst v63  }
0x10: {  	_ =	swait.ge [sflag:s14], $0x8000  }
0x11: {  	[sflag:s14] =	ssyncset.done $0x0  }
0x12: {  	[sflag:s14] =	ssyncadd.s32 $0xFFFF8000  }
0x13: {  	v0 =	vld [tilespmem:$0x0];
	[tilespmem:s2], [sflag:$0x1] =	stream.linear.gather [hbm4b:s5+s2], $0x8000, $0x38  }
0x14: {  	_ =	swait.ge [sflag:s15], $0x8000  }
0x15: {  	[sflag:s15] =	ssyncset.done $0x0  }
0x16: {  	[sflag:s15] =	ssyncadd.s32 $0xFFFF8000  }
0x17: {  	v1 =	vld [tilespmem:$0x8000];
	[tilespmem:s13], [sflag:$0x2] =	stream.linear.gather [hbm4b:s6+s2], $0x8000, $0x38  }
0x18: {  	_ =	swait.ge [sflag:s14], $0x8000  }
0x19: {  	[sflag:s14] =	ssyncset.done $0x0  }
0x1a: {  	[sflag:s14] =	ssyncadd.s32 $0xFFFF8000  }
0x1b: {  	v2 =	vld [tilespmem:$0x0];
	[tilespmem:s2], [sflag:$0x1] =	stream.linear.gather [hbm4b:s7+s2], $0x8000, $0x38  }
0x1c: {  	_ =	swait.ge [sflag:s15], $0x8000  }
0x1d: {  	[sflag:s15] =	ssyncset.done $0x0  }
0x1e: {  	[sflag:s15] =	ssyncadd.s32 $0xFFFF8000  }
0x1f: {  	v3 =	vld [tilespmem:$0x8000];
	[tilespmem:s13], [sflag:$0x2] =	stream.linear.gather [hbm4b:s8+s2], $0x8000, $0x38  }
0x20: {  	_ =	swait.ge [sflag:s14], $0x8000  }
0x21: {  	[sflag:s14] =	ssyncset.done $0x0  }
0x22: {  	[sflag:s14] =	ssyncadd.s32 $0xFFFF8000  }
0x23: {  	v4 =	vld [tilespmem:$0x0];
	[tilespmem:s2], [sflag:$0x1] =	stream.linear.gather [hbm4b:s9+s2], $0x8000, $0x38  }
0x24: {  	_ =	swait.ge [sflag:s15], $0x8000  }
0x25: {  	v0 =	vadd.f32 $0.0e+00, v0;
	[sflag:s15] =	ssyncset.done $0x0  }
0x26: {  	[sflag:s15] =	ssyncadd.s32 $0xFFFF8000  }
0x27: {  	v0 =	vadd.f32 v1, v0;
	v5 =	vld [tilespmem:$0x8000];
	[tilespmem:s13], [sflag:$0x2] =	stream.linear.gather [hbm4b:s10+s2], $0x8000, $0x38  }
0x28: {  	_ =	swait.ge [sflag:s14], $0x8000  }
0x29: {  	v0 =	vadd.f32 v2, v0;
	[sflag:s14] =	ssyncset.done $0x0  }
0x2a: {  	[sflag:s14] =	ssyncadd.s32 $0xFFFF8000  }
0x2b: {  	v0 =	vadd.f32 v3, v0;
	v62 =	vld [tilespmem:$0x0];
	_ =	swait.ge [sflag:s15], $0x8000  }
0x2c: {  	[sflag:s15] =	ssyncset.done $0x0  }
0x2d: {  	v0 =	vadd.f32 v4, v0;
	[sflag:s15] =	ssyncadd.s32 $0xFFFF8000  }
0x2e: {  	v63 =	vld [tilespmem:$0x8000]  }
0x2f: {  	v0 =	vadd.f32 v5, v0;
	_ =	sdelay $0x1  }
0x30: {  	v0 =	vadd.f32 v62, v0;
	_ =	sdelay $0x1  }
0x31: {  	v0 =	vadd.f32 v63, v0  }
0x32: {  	p0 =	sne.s32 s12, $0x1  }
.Ltmp0:
0x33: {  	[tilespmem:$0x10000] =	vst v0;
	(pc) =	sbr.rel @p0 .LBB2_1-.Ltmp0, $4  }
0x34: {  	[hbm4b:s11+s2] =	stream.linear.scatter [tilespmem:s16], [sflag:$0x3], $0x10, $0x38;
	[tilespmem:$0x10080] =	vst v63  }
0x35: {  	_ =	swait.ge [sflag:s17], $0x10  }
0x36: {  	[sflag:s17] =	ssyncset.done $0x0  }
0x37: {  	s12 =	sadd.s32 $0xFFFFFFFF, s12;
	[sflag:s17] =	ssyncadd.s32 $0xFFFFFFF0  }
0x38: {  	_ =	sfence.sel $0x180000  }
0x39: {  	[bflag:$0x0] =	sbarrier.arrive $0xFFFF  }
0x3a: {  	p0 =	sne.s32 s1, $0x0;
	_ =	strace $0x90000047  }
0x3b: {  	s0 =	sadd.s32 @!p0 $0x100000, s0;
	[bflag:$0x2] =	sbarrier.arrive $0xFFFF  }
0x3c: {  	[sflag:s0] =	ssyncadd.tile.s32 @!p0 $0x1;
	_ =	shalt  }
.Lfunc_end2:
_tile_overlayer_lowered:
.L_overlay_start_2:
0x3d: {  	(tag) =	ssettag $0x2  }
0x3e: {  	s0 =	rddreg [dreg:$0x0];
	s2 =	stileid.u32  }
0x3f: {  	s1 =	rddreg [dreg:$0x1];
	p0 =	sne.s32 s2, $0x0  }
0x40: {  	s3 =	rddreg [dreg:$0x2];
	[bflag:$0x3] =	sbarrier.arrive $0xFFFF;
	s2 =	simm.s32 @!p0 $0x1C03  }
0x41: {  	[timem:s3], [sflag:s2] =	dma.local @!p0 [hbm:s0], s1  }
0x42: {  	s0 =	simm.s32 @!p0 $0x3  }
0x43: {  	_ =	swait.ge @!p0 [sflag:s0], s1  }
0x44: {  	s1 =	ssub.s32 @!p0 $0x0, s1;
	[sflag:s0] =	ssyncset.done @!p0 $0x0  }
0x45: {  	[sflag:s0] =	ssyncadd.s32 @!p0 s1  }
0x46: {  	[bflag:$0x3] =	sbarrier.arrive $0xFFFF  }
0x47: {  	_ =	shalt  }

</sc_bundles>
